<compile_context>
chip_gen: v7x
topology: tpu7x:2x2x1
jax: 0.10.2.dev20260603
libtpu: 0.0.44.dev20260713+nightly
codegen_flags: <defaults>
</compile_context>

<pallas_src>
import jax
import jax.numpy as jnp
from jax import lax
from jax.experimental import pallas as pl
from jax.experimental.pallas import tpu as pltpu
from jax.experimental.pallas import tpu_sc as plsc

BATCH = 16384
LATENT = 32
NITEMS = 1000000
SROWS = (NITEMS + 127) // 128
RBLK = 448
GRID1 = (SROWS + RBLK - 1) // RBLK

NW = 32
BPW = BATCH // NW
NCHUNK = 4
CHUNK = BPW // NCHUNK


def _score_body(w_ref, b_ref, emb_ref, out_ref):
    x = emb_ref[...]
    s = jax.lax.dot_general(
        w_ref[...], x, (((1,), (0,)), ((), ())),
        preferred_element_type=jnp.float32)
    out_ref[...] = s.reshape(RBLK, 128) + b_ref[0, 0]


def _gather_body(idx_hbm, sc_hbm, out_hbm, idx_v, rows_v, dat_v, out_v, sem):
    wid = lax.axis_index("s") * 2 + lax.axis_index("c")
    base = wid * BPW

    pltpu.sync_copy(idx_hbm.at[pl.ds(base, BPW)], idx_v)

    def row_body(g, carry):
        iv = idx_v[pl.ds(g * 16, 16)]
        rows_v[pl.ds(g * 16, 16)] = iv >> 7
        return carry

    lax.fori_loop(0, BPW // 16, row_body, 0)

    copies = [
        pltpu.async_copy(
            sc_hbm.at[rows_v.at[pl.ds(c * CHUNK, CHUNK)]],
            dat_v.at[c],
            sem,
        )
        for c in range(NCHUNK)
    ]
    for cp in copies:
        cp.wait()

    lane = lax.iota(jnp.int32, 16)

    for c in range(NCHUNK):
        cvec = jnp.full((16,), c, jnp.int32)

        def ext_body(g, carry, c=c, cvec=cvec):
            iv = idx_v[pl.ds(c * CHUNK + g * 16, 16)]
            rvec = g * 16 + lane
            lvec = iv & 127
            vals = plsc.load_gather(dat_v, [cvec, rvec, lvec])
            out_v[pl.ds(c * CHUNK + g * 16, 16)] = vals
            return carry

        lax.fori_loop(0, CHUNK // 16, ext_body, 0)

    pltpu.sync_copy(out_v, out_hbm.at[pl.ds(base, BPW)])


@jax.jit
def kernel(item_indices, item_emb, ffn_w, ffn_b):
    wcol = ffn_w.astype(jnp.float32)
    bmat = ffn_b.reshape(1, 1).astype(jnp.float32)

    scores = pl.pallas_call(
        _score_body,
        grid=(GRID1,),
        in_specs=[
            pl.BlockSpec((1, LATENT), lambda i: (0, 0)),
            pl.BlockSpec((1, 1), lambda i: (0, 0)),
            pl.BlockSpec((LATENT, RBLK * 128), lambda i: (0, i)),
        ],
        out_specs=pl.BlockSpec((RBLK, 128), lambda i: (i, 0)),
        out_shape=jax.ShapeDtypeStruct((SROWS, 128), jnp.float32),
    )(wcol, bmat, item_emb.T)

    run = pl.kernel(
        _gather_body,
        mesh=plsc.VectorSubcoreMesh(core_axis_name="c", subcore_axis_name="s"),
        out_type=jax.ShapeDtypeStruct((BATCH,), jnp.float32),
        compiler_params=pltpu.CompilerParams(needs_layout_passes=False),
        scratch_types=[
            pltpu.VMEM((BPW,), jnp.int32),
            pltpu.VMEM((BPW,), jnp.int32),
            pltpu.VMEM((NCHUNK, CHUNK, 128), jnp.float32),
            pltpu.VMEM((BPW,), jnp.float32),
            pltpu.SemaphoreType.DMA,
        ],
    )
    out = run(item_indices.astype(jnp.int32), scores)
    return out.reshape(BATCH, 1)

# --- scband reference (transcript-rebuilt; emitter-appended) ---
"""Pipeline reference for scband-fed-rkg-24352464569728 (READ-ONLY COPY).

The authoritative reference and input builder live on the scoring server;
editing this copy changes nothing except your own understanding.
"""

import jax, jax.numpy as jnp
import numpy as np

NUM_ITEMS = 1000000
LATENT_DIM = 32
BATCH = 16384

def setup_inputs(seed: int = 0) -> dict:
    key = jax.random.key(seed)
    k1, k2, k3 = jax.random.split(key, 3)
    item_indices = jax.random.randint(k1, (BATCH,), 0, NUM_ITEMS, dtype=jnp.int64 if jax.config.read('jax_enable_x64') else jnp.int32)
    item_emb = jax.random.normal(k2, (NUM_ITEMS, LATENT_DIM), dtype=jnp.float32) * 0.02
    # ffn: Linear(latent_dim, 1)
    bound = 1.0 / np.sqrt(LATENT_DIM)
    ffn_w = jax.random.uniform(k3, (1, LATENT_DIM), dtype=jnp.float32, minval=-bound, maxval=bound)
    ffn_b = jnp.zeros((1,), dtype=jnp.float32)
    return {"item_indices": item_indices, "item_emb": item_emb, "ffn_w": ffn_w, "ffn_b": ffn_b}

def reference(item_indices, item_emb, ffn_w, ffn_b):
    # use_u == False branch: vector = item_emb(item_indices)
    vector = jnp.take(item_emb, item_indices, axis=0)  # [B, latent_dim]
    out = vector @ ffn_w.T + ffn_b  # [B, 1]
    return out

if __name__ == "__main__":
    import jax
    _d = setup_inputs()
    print(jax.jit(kernel)(*tuple(_d.values())))

</pallas_src>

<mosaic_0001>
#map = affine_map<(d0, d1) -> (0)>
#map1 = affine_map<(d0, d1) -> (0, 0)>
module attributes {stable_mosaic.version = 14 : i64} {
  func.func @_gather_body(%arg0: i32, %arg1: i32, %arg2: memref<16384xi32, #tpu.memory_space<hbm>>, %arg3: memref<7813x128xf32, #tpu.memory_space<hbm>>, %arg4: memref<16384xf32, #tpu.memory_space<hbm>>, %arg5: memref<512xi32, #tpu.memory_space<vmem>>, %arg6: memref<512xi32, #tpu.memory_space<vmem>>, %arg7: memref<4x128x128xf32, #tpu.memory_space<vmem>>, %arg8: memref<512xf32, #tpu.memory_space<vmem>>, %arg9: memref<!tpu.dma_semaphore, #tpu.memory_space<semaphore_mem>>) attributes {dimension_semantics = [#tpu.dimension_semantics<core_parallel>, #tpu.dimension_semantics<subcore_parallel>], iteration_bounds = array<i64: 2, 16>, scalar_prefetch = 0 : i64, scratch_operands = 5 : i64, tpu.core_type = #tpu.core_type<sc_vector_subcore>, window_params = [{transform_indices = #map}, {transform_indices = #map1}, {transform_indices = #map}]} {
    %mul3A = arith.constant 2 : i32
    %mul3A_0 = arith.muli %arg1, %mul3A : i32
    %add3A = arith.addi %mul3A_0, %arg0 : i32
    %mul3A_1 = arith.constant 512 : i32
    %mul3A_2 = arith.muli %add3A, %mul3A_1 : i32
    "tpu.region"() ({
      %run_scoped3A = tpu.sem_alloc : memref<!tpu.dma_semaphore, #tpu.memory_space<semaphore_mem>>
      %dma_start3A_117 = tpu.memref_slice %arg2[%mul3A_2] : memref<16384xi32, #tpu.memory_space<hbm>> -> memref<512xi32, #tpu.memory_space<hbm>>
      %dma_start3A_118 = tpu.memref_slice %arg2[%mul3A_2] : memref<16384xi32, #tpu.memory_space<hbm>> -> memref<512xi32, #tpu.memory_space<hbm>>
      tpu.enqueue_dma source(%dma_start3A_118 : memref<512xi32, #tpu.memory_space<hbm>>) target(%arg5 : memref<512xi32, #tpu.memory_space<vmem>>) target_semaphore(%run_scoped3A : memref<!tpu.dma_semaphore, #tpu.memory_space<semaphore_mem>>)
      %dma_wait3A_119 = tpu.memref_slice %arg2[%mul3A_2] : memref<16384xi32, #tpu.memory_space<hbm>> -> memref<512xi32, #tpu.memory_space<hbm>>
      %dma_wait3A_120 = tpu.memref_slice %arg2[%mul3A_2] : memref<16384xi32, #tpu.memory_space<hbm>> -> memref<512xi32, #tpu.memory_space<hbm>>
      tpu.wait_dma2 semaphore(%run_scoped3A : memref<!tpu.dma_semaphore, #tpu.memory_space<semaphore_mem>>) src(%dma_wait3A_120 : memref<512xi32, #tpu.memory_space<hbm>>) dst(%arg5 : memref<512xi32, #tpu.memory_space<vmem>>)
      tpu.yield
    }) : () -> ()
    %scan3A = arith.constant 0 : i32
    %scan3A_3 = arith.constant 0 : i32
    %scan3A_4 = arith.constant 32 : i32
    %scan3A_5 = arith.addi %scan3A_3, %scan3A_4 : i32
    %scan3A_6 = arith.constant 1 : i32
    scf.for %scan3A_117 = %scan3A_3 to %scan3A_5 step %scan3A_6  : i32 {
      %mul3A_118 = arith.constant 16 : i32
      %mul3A_119 = arith.muli %scan3A_117, %mul3A_118 : i32
      %get3A = arith.index_cast %mul3A_119 : i32 to index
      %get3A_120 = tpu.vector_load %arg5[%get3A] {strides = array<i32>} : memref<512xi32, #tpu.memory_space<vmem>>, vector<16xi32>,
      %shift_right_arithmetic3A = arith.constant 7 : i32
      %shift_right_arithmetic3A_121 = vector.broadcast %shift_right_arithmetic3A : i32 to vector<16xi32>
      %shift_right_arithmetic3A_122 = arith.shrsi %get3A_120, %shift_right_arithmetic3A_121 : vector<16xi32>
      %mul3A_123 = arith.constant 16 : i32
      %mul3A_124 = arith.muli %scan3A_117, %mul3A_123 : i32
      %swap3A = arith.index_cast %mul3A_124 : i32 to index
      %swap3A_125 = tpu.vector_load %arg6[%swap3A] {strides = array<i32>} : memref<512xi32, #tpu.memory_space<vmem>>, vector<16xi32>,
      tpu.vector_store %arg6[%swap3A], %shift_right_arithmetic3A_122 {strides = array<i32>} : memref<512xi32, #tpu.memory_space<vmem>>, vector<16xi32>,
    }
    %scan3A_7 = arith.constant 32 : i32
    %dma_start3A = arith.constant 0 : i32
    %dma_start3A_8 = arith.constant 0 : i32
    %dma_start3A_9 = arith.constant 0 : i32
    %dma_start3A_10 = tpu.memref_slice %arg7[%dma_start3A, %dma_start3A_8, %dma_start3A_9] : memref<4x128x128xf32, #tpu.memory_space<vmem>> -> memref<1x128x128xf32, #tpu.memory_space<vmem>>
    %dma_start3A_11 = tpu.memref_squeeze %dma_start3A_10 : memref<1x128x128xf32, #tpu.memory_space<vmem>> -> memref<128x128xf32, #tpu.memory_space<vmem>>
    %dma_start3A_12 = arith.constant 0 : i32
    %dma_start3A_13 = tpu.memref_slice %arg6[%dma_start3A_12] : memref<512xi32, #tpu.memory_space<vmem>> -> memref<128xi32, #tpu.memory_space<vmem>>
    %dma_start3A_14 = arith.constant 0 : i32
    %dma_start3A_15 = arith.constant 0 : i32
    %dma_start3A_16 = tpu.memref_slice %arg3[%dma_start3A_14, %dma_start3A_15] : memref<7813x128xf32, #tpu.memory_space<hbm>> -> memref<7813x128xf32, #tpu.memory_space<hbm>>
    tpu.enqueue_indirect_dma source(%dma_start3A_16 : memref<7813x128xf32, #tpu.memory_space<hbm>>) target(%dma_start3A_11 : memref<128x128xf32, #tpu.memory_space<vmem>>) offsets(%dma_start3A_13 : memref<128xi32, #tpu.memory_space<vmem>>) semaphore(%arg9 : memref<!tpu.dma_semaphore, #tpu.memory_space<semaphore_mem>>)
    %dma_start3A_17 = arith.constant 1 : i32
    %dma_start3A_18 = arith.constant 0 : i32
    %dma_start3A_19 = arith.constant 0 : i32
    %dma_start3A_20 = tpu.memref_slice %arg7[%dma_start3A_17, %dma_start3A_18, %dma_start3A_19] : memref<4x128x128xf32, #tpu.memory_space<vmem>> -> memref<1x128x128xf32, #tpu.memory_space<vmem>>
    %dma_start3A_21 = tpu.memref_squeeze %dma_start3A_20 : memref<1x128x128xf32, #tpu.memory_space<vmem>> -> memref<128x128xf32, #tpu.memory_space<vmem>>
    %dma_start3A_22 = arith.constant 128 : i32
    %dma_start3A_23 = tpu.memref_slice %arg6[%dma_start3A_22] : memref<512xi32, #tpu.memory_space<vmem>> -> memref<128xi32, #tpu.memory_space<vmem>>
    %dma_start3A_24 = arith.constant 0 : i32
    %dma_start3A_25 = arith.constant 0 : i32
    %dma_start3A_26 = tpu.memref_slice %arg3[%dma_start3A_24, %dma_start3A_25] : memref<7813x128xf32, #tpu.memory_space<hbm>> -> memref<7813x128xf32, #tpu.memory_space<hbm>>
    tpu.enqueue_indirect_dma source(%dma_start3A_26 : memref<7813x128xf32, #tpu.memory_space<hbm>>) target(%dma_start3A_21 : memref<128x128xf32, #tpu.memory_space<vmem>>) offsets(%dma_start3A_23 : memref<128xi32, #tpu.memory_space<vmem>>) semaphore(%arg9 : memref<!tpu.dma_semaphore, #tpu.memory_space<semaphore_mem>>)
    %dma_start3A_27 = arith.constant 2 : i32
    %dma_start3A_28 = arith.constant 0 : i32
    %dma_start3A_29 = arith.constant 0 : i32
    %dma_start3A_30 = tpu.memref_slice %arg7[%dma_start3A_27, %dma_start3A_28, %dma_start3A_29] : memref<4x128x128xf32, #tpu.memory_space<vmem>> -> memref<1x128x128xf32, #tpu.memory_space<vmem>>
    %dma_start3A_31 = tpu.memref_squeeze %dma_start3A_30 : memref<1x128x128xf32, #tpu.memory_space<vmem>> -> memref<128x128xf32, #tpu.memory_space<vmem>>
    %dma_start3A_32 = arith.constant 256 : i32
    %dma_start3A_33 = tpu.memref_slice %arg6[%dma_start3A_32] : memref<512xi32, #tpu.memory_space<vmem>> -> memref<128xi32, #tpu.memory_space<vmem>>
    %dma_start3A_34 = arith.constant 0 : i32
    %dma_start3A_35 = arith.constant 0 : i32
    %dma_start3A_36 = tpu.memref_slice %arg3[%dma_start3A_34, %dma_start3A_35] : memref<7813x128xf32, #tpu.memory_space<hbm>> -> memref<7813x128xf32, #tpu.memory_space<hbm>>
    tpu.enqueue_indirect_dma source(%dma_start3A_36 : memref<7813x128xf32, #tpu.memory_space<hbm>>) target(%dma_start3A_31 : memref<128x128xf32, #tpu.memory_space<vmem>>) offsets(%dma_start3A_33 : memref<128xi32, #tpu.memory_space<vmem>>) semaphore(%arg9 : memref<!tpu.dma_semaphore, #tpu.memory_space<semaphore_mem>>)
    %dma_start3A_37 = arith.constant 3 : i32
    %dma_start3A_38 = arith.constant 0 : i32
    %dma_start3A_39 = arith.constant 0 : i32
    %dma_start3A_40 = tpu.memref_slice %arg7[%dma_start3A_37, %dma_start3A_38, %dma_start3A_39] : memref<4x128x128xf32, #tpu.memory_space<vmem>> -> memref<1x128x128xf32, #tpu.memory_space<vmem>>
    %dma_start3A_41 = tpu.memref_squeeze %dma_start3A_40 : memref<1x128x128xf32, #tpu.memory_space<vmem>> -> memref<128x128xf32, #tpu.memory_space<vmem>>
    %dma_start3A_42 = arith.constant 384 : i32
    %dma_start3A_43 = tpu.memref_slice %arg6[%dma_start3A_42] : memref<512xi32, #tpu.memory_space<vmem>> -> memref<128xi32, #tpu.memory_space<vmem>>
    %dma_start3A_44 = arith.constant 0 : i32
    %dma_start3A_45 = arith.constant 0 : i32
    %dma_start3A_46 = tpu.memref_slice %arg3[%dma_start3A_44, %dma_start3A_45] : memref<7813x128xf32, #tpu.memory_space<hbm>> -> memref<7813x128xf32, #tpu.memory_space<hbm>>
    tpu.enqueue_indirect_dma source(%dma_start3A_46 : memref<7813x128xf32, #tpu.memory_space<hbm>>) target(%dma_start3A_41 : memref<128x128xf32, #tpu.memory_space<vmem>>) offsets(%dma_start3A_43 : memref<128xi32, #tpu.memory_space<vmem>>) semaphore(%arg9 : memref<!tpu.dma_semaphore, #tpu.memory_space<semaphore_mem>>)
    %dma_wait3A = arith.constant 0 : i32
    %dma_wait3A_47 = arith.constant 0 : i32
    %dma_wait3A_48 = arith.constant 0 : i32
    %dma_wait3A_49 = tpu.memref_slice %arg7[%dma_wait3A, %dma_wait3A_47, %dma_wait3A_48] : memref<4x128x128xf32, #tpu.memory_space<vmem>> -> memref<1x128x128xf32, #tpu.memory_space<vmem>>
    %dma_wait3A_50 = tpu.memref_squeeze %dma_wait3A_49 : memref<1x128x128xf32, #tpu.memory_space<vmem>> -> memref<128x128xf32, #tpu.memory_space<vmem>>
    %dma_wait3A_51 = arith.constant 0 : i32
    %dma_wait3A_52 = tpu.memref_slice %arg6[%dma_wait3A_51] : memref<512xi32, #tpu.memory_space<vmem>> -> memref<128xi32, #tpu.memory_space<vmem>>
    %dma_wait3A_53 = arith.constant 0 : i32
    %dma_wait3A_54 = arith.constant 0 : i32
    %dma_wait3A_55 = tpu.memref_slice %arg3[%dma_wait3A_53, %dma_wait3A_54] : memref<7813x128xf32, #tpu.memory_space<hbm>> -> memref<7813x128xf32, #tpu.memory_space<hbm>>
    tpu.wait_indirect_dma semaphore(%arg9 : memref<!tpu.dma_semaphore, #tpu.memory_space<semaphore_mem>>) src(%dma_wait3A_55 : memref<7813x128xf32, #tpu.memory_space<hbm>>) dst(%dma_wait3A_50 : memref<128x128xf32, #tpu.memory_space<vmem>>)
    %dma_wait3A_56 = arith.constant 1 : i32
    %dma_wait3A_57 = arith.constant 0 : i32
    %dma_wait3A_58 = arith.constant 0 : i32
    %dma_wait3A_59 = tpu.memref_slice %arg7[%dma_wait3A_56, %dma_wait3A_57, %dma_wait3A_58] : memref<4x128x128xf32, #tpu.memory_space<vmem>> -> memref<1x128x128xf32, #tpu.memory_space<vmem>>
    %dma_wait3A_60 = tpu.memref_squeeze %dma_wait3A_59 : memref<1x128x128xf32, #tpu.memory_space<vmem>> -> memref<128x128xf32, #tpu.memory_space<vmem>>
    %dma_wait3A_61 = arith.constant 128 : i32
    %dma_wait3A_62 = tpu.memref_slice %arg6[%dma_wait3A_61] : memref<512xi32, #tpu.memory_space<vmem>> -> memref<128xi32, #tpu.memory_space<vmem>>
    %dma_wait3A_63 = arith.constant 0 : i32
    %dma_wait3A_64 = arith.constant 0 : i32
    %dma_wait3A_65 = tpu.memref_slice %arg3[%dma_wait3A_63, %dma_wait3A_64] : memref<7813x128xf32, #tpu.memory_space<hbm>> -> memref<7813x128xf32, #tpu.memory_space<hbm>>
    tpu.wait_indirect_dma semaphore(%arg9 : memref<!tpu.dma_semaphore, #tpu.memory_space<semaphore_mem>>) src(%dma_wait3A_65 : memref<7813x128xf32, #tpu.memory_space<hbm>>) dst(%dma_wait3A_60 : memref<128x128xf32, #tpu.memory_space<vmem>>)
    %dma_wait3A_66 = arith.constant 2 : i32
    %dma_wait3A_67 = arith.constant 0 : i32
    %dma_wait3A_68 = arith.constant 0 : i32
    %dma_wait3A_69 = tpu.memref_slice %arg7[%dma_wait3A_66, %dma_wait3A_67, %dma_wait3A_68] : memref<4x128x128xf32, #tpu.memory_space<vmem>> -> memref<1x128x128xf32, #tpu.memory_space<vmem>>
    %dma_wait3A_70 = tpu.memref_squeeze %dma_wait3A_69 : memref<1x128x128xf32, #tpu.memory_space<vmem>> -> memref<128x128xf32, #tpu.memory_space<vmem>>
    %dma_wait3A_71 = arith.constant 256 : i32
    %dma_wait3A_72 = tpu.memref_slice %arg6[%dma_wait3A_71] : memref<512xi32, #tpu.memory_space<vmem>> -> memref<128xi32, #tpu.memory_space<vmem>>
    %dma_wait3A_73 = arith.constant 0 : i32
    %dma_wait3A_74 = arith.constant 0 : i32
    %dma_wait3A_75 = tpu.memref_slice %arg3[%dma_wait3A_73, %dma_wait3A_74] : memref<7813x128xf32, #tpu.memory_space<hbm>> -> memref<7813x128xf32, #tpu.memory_space<hbm>>
    tpu.wait_indirect_dma semaphore(%arg9 : memref<!tpu.dma_semaphore, #tpu.memory_space<semaphore_mem>>) src(%dma_wait3A_75 : memref<7813x128xf32, #tpu.memory_space<hbm>>) dst(%dma_wait3A_70 : memref<128x128xf32, #tpu.memory_space<vmem>>)
    %dma_wait3A_76 = arith.constant 3 : i32
    %dma_wait3A_77 = arith.constant 0 : i32
    %dma_wait3A_78 = arith.constant 0 : i32
    %dma_wait3A_79 = tpu.memref_slice %arg7[%dma_wait3A_76, %dma_wait3A_77, %dma_wait3A_78] : memref<4x128x128xf32, #tpu.memory_space<vmem>> -> memref<1x128x128xf32, #tpu.memory_space<vmem>>
    %dma_wait3A_80 = tpu.memref_squeeze %dma_wait3A_79 : memref<1x128x128xf32, #tpu.memory_space<vmem>> -> memref<128x128xf32, #tpu.memory_space<vmem>>
    %dma_wait3A_81 = arith.constant 384 : i32
    %dma_wait3A_82 = tpu.memref_slice %arg6[%dma_wait3A_81] : memref<512xi32, #tpu.memory_space<vmem>> -> memref<128xi32, #tpu.memory_space<vmem>>
    %dma_wait3A_83 = arith.constant 0 : i32
    %dma_wait3A_84 = arith.constant 0 : i32
    %dma_wait3A_85 = tpu.memref_slice %arg3[%dma_wait3A_83, %dma_wait3A_84] : memref<7813x128xf32, #tpu.memory_space<hbm>> -> memref<7813x128xf32, #tpu.memory_space<hbm>>
    tpu.wait_indirect_dma semaphore(%arg9 : memref<!tpu.dma_semaphore, #tpu.memory_space<semaphore_mem>>) src(%dma_wait3A_85 : memref<7813x128xf32, #tpu.memory_space<hbm>>) dst(%dma_wait3A_80 : memref<128x128xf32, #tpu.memory_space<vmem>>)
    %iota3A = tpu.iota {dimensions = array<i32: 0>} : vector<16xi32>
    %broadcast_in_dim3A = arith.constant 0 : i32
    %broadcast_in_dim3A_86 = vector.broadcast %broadcast_in_dim3A : i32 to vector<16xi32>
    %scan3A_87 = arith.constant 0 : i32
    %scan3A_88 = arith.constant 0 : i32
    %scan3A_89 = arith.constant 8 : i32
    %scan3A_90 = arith.addi %scan3A_88, %scan3A_89 : i32
    %scan3A_91 = arith.constant 1 : i32
    scf.for %scan3A_117 = %scan3A_88 to %scan3A_90 step %scan3A_91  : i32 {
      %mul3A_118 = arith.constant 16 : i32
      %mul3A_119 = arith.muli %scan3A_117, %mul3A_118 : i32
      %add3A_120 = arith.constant 0 : i32
      %add3A_121 = arith.addi %add3A_120, %mul3A_119 : i32
      %get3A = arith.index_cast %add3A_121 : i32 to index
      %get3A_122 = tpu.vector_load %arg5[%get3A] {strides = array<i32>} : memref<512xi32, #tpu.memory_space<vmem>>, vector<16xi32>,
      %mul3A_123 = arith.constant 16 : i32
      %mul3A_124 = arith.muli %scan3A_117, %mul3A_123 : i32
      %add3A_125 = vector.broadcast %mul3A_124 : i32 to vector<16xi32>
      %add3A_126 = arith.addi %add3A_125, %iota3A : vector<16xi32>
      %and3A = arith.constant 127 : i32
      %and3A_127 = vector.broadcast %and3A : i32 to vector<16xi32>
      %and3A_128 = arith.andi %get3A_122, %and3A_127 : vector<16xi32>
      %gather3A = tpu.vector_load_idx %arg7[%broadcast_in_dim3A_86, %add3A_126, %and3A_128] : memref<4x128x128xf32, #tpu.memory_space<vmem>>[vector<16xi32>, vector<16xi32>, vector<16xi32>], vector<16xf32>,
      %mul3A_129 = arith.constant 16 : i32
      %mul3A_130 = arith.muli %scan3A_117, %mul3A_129 : i32
      %add3A_131 = arith.constant 0 : i32
      %add3A_132 = arith.addi %add3A_131, %mul3A_130 : i32
      %swap3A = arith.index_cast %add3A_132 : i32 to index
      %swap3A_133 = tpu.vector_load %arg8[%swap3A] {strides = array<i32>} : memref<512xf32, #tpu.memory_space<vmem>>, vector<16xf32>,
      tpu.vector_store %arg8[%swap3A], %gather3A {strides = array<i32>} : memref<512xf32, #tpu.memory_space<vmem>>, vector<16xf32>,
    }
    %scan3A_92 = arith.constant 8 : i32
    %broadcast_in_dim3A_93 = arith.constant 1 : i32
    %broadcast_in_dim3A_94 = vector.broadcast %broadcast_in_dim3A_93 : i32 to vector<16xi32>
    %scan3A_95 = arith.constant 0 : i32
    %scan3A_96 = arith.constant 0 : i32
    %scan3A_97 = arith.constant 8 : i32
    %scan3A_98 = arith.addi %scan3A_96, %scan3A_97 : i32
    %scan3A_99 = arith.constant 1 : i32
    scf.for %scan3A_117 = %scan3A_96 to %scan3A_98 step %scan3A_99  : i32 {
      %mul3A_118 = arith.constant 16 : i32
      %mul3A_119 = arith.muli %scan3A_117, %mul3A_118 : i32
      %add3A_120 = arith.constant 128 : i32
      %add3A_121 = arith.addi %add3A_120, %mul3A_119 : i32
      %get3A = arith.index_cast %add3A_121 : i32 to index
      %get3A_122 = tpu.vector_load %arg5[%get3A] {strides = array<i32>} : memref<512xi32, #tpu.memory_space<vmem>>, vector<16xi32>,
      %mul3A_123 = arith.constant 16 : i32
      %mul3A_124 = arith.muli %scan3A_117, %mul3A_123 : i32
      %add3A_125 = vector.broadcast %mul3A_124 : i32 to vector<16xi32>
      %add3A_126 = arith.addi %add3A_125, %iota3A : vector<16xi32>
      %and3A = arith.constant 127 : i32
      %and3A_127 = vector.broadcast %and3A : i32 to vector<16xi32>
      %and3A_128 = arith.andi %get3A_122, %and3A_127 : vector<16xi32>
      %gather3A = tpu.vector_load_idx %arg7[%broadcast_in_dim3A_94, %add3A_126, %and3A_128] : memref<4x128x128xf32, #tpu.memory_space<vmem>>[vector<16xi32>, vector<16xi32>, vector<16xi32>], vector<16xf32>,
      %mul3A_129 = arith.constant 16 : i32
      %mul3A_130 = arith.muli %scan3A_117, %mul3A_129 : i32
      %add3A_131 = arith.constant 128 : i32
      %add3A_132 = arith.addi %add3A_131, %mul3A_130 : i32
      %swap3A = arith.index_cast %add3A_132 : i32 to index
      %swap3A_133 = tpu.vector_load %arg8[%swap3A] {strides = array<i32>} : memref<512xf32, #tpu.memory_space<vmem>>, vector<16xf32>,
      tpu.vector_store %arg8[%swap3A], %gather3A {strides = array<i32>} : memref<512xf32, #tpu.memory_space<vmem>>, vector<16xf32>,
    }
    %scan3A_100 = arith.constant 8 : i32
    %broadcast_in_dim3A_101 = arith.constant 2 : i32
    %broadcast_in_dim3A_102 = vector.broadcast %broadcast_in_dim3A_101 : i32 to vector<16xi32>
    %scan3A_103 = arith.constant 0 : i32
    %scan3A_104 = arith.constant 0 : i32
    %scan3A_105 = arith.constant 8 : i32
    %scan3A_106 = arith.addi %scan3A_104, %scan3A_105 : i32
    %scan3A_107 = arith.constant 1 : i32
    scf.for %scan3A_117 = %scan3A_104 to %scan3A_106 step %scan3A_107  : i32 {
      %mul3A_118 = arith.constant 16 : i32
      %mul3A_119 = arith.muli %scan3A_117, %mul3A_118 : i32
      %add3A_120 = arith.constant 256 : i32
      %add3A_121 = arith.addi %add3A_120, %mul3A_119 : i32
      %get3A = arith.index_cast %add3A_121 : i32 to index
      %get3A_122 = tpu.vector_load %arg5[%get3A] {strides = array<i32>} : memref<512xi32, #tpu.memory_space<vmem>>, vector<16xi32>,
      %mul3A_123 = arith.constant 16 : i32
      %mul3A_124 = arith.muli %scan3A_117, %mul3A_123 : i32
      %add3A_125 = vector.broadcast %mul3A_124 : i32 to vector<16xi32>
      %add3A_126 = arith.addi %add3A_125, %iota3A : vector<16xi32>
      %and3A = arith.constant 127 : i32
      %and3A_127 = vector.broadcast %and3A : i32 to vector<16xi32>
      %and3A_128 = arith.andi %get3A_122, %and3A_127 : vector<16xi32>
      %gather3A = tpu.vector_load_idx %arg7[%broadcast_in_dim3A_102, %add3A_126, %and3A_128] : memref<4x128x128xf32, #tpu.memory_space<vmem>>[vector<16xi32>, vector<16xi32>, vector<16xi32>], vector<16xf32>,
      %mul3A_129 = arith.constant 16 : i32
      %mul3A_130 = arith.muli %scan3A_117, %mul3A_129 : i32
      %add3A_131 = arith.constant 256 : i32
      %add3A_132 = arith.addi %add3A_131, %mul3A_130 : i32
      %swap3A = arith.index_cast %add3A_132 : i32 to index
      %swap3A_133 = tpu.vector_load %arg8[%swap3A] {strides = array<i32>} : memref<512xf32, #tpu.memory_space<vmem>>, vector<16xf32>,
      tpu.vector_store %arg8[%swap3A], %gather3A {strides = array<i32>} : memref<512xf32, #tpu.memory_space<vmem>>, vector<16xf32>,
    }
    %scan3A_108 = arith.constant 8 : i32
    %broadcast_in_dim3A_109 = arith.constant 3 : i32
    %broadcast_in_dim3A_110 = vector.broadcast %broadcast_in_dim3A_109 : i32 to vector<16xi32>
    %scan3A_111 = arith.constant 0 : i32
    %scan3A_112 = arith.constant 0 : i32
    %scan3A_113 = arith.constant 8 : i32
    %scan3A_114 = arith.addi %scan3A_112, %scan3A_113 : i32
    %scan3A_115 = arith.constant 1 : i32
    scf.for %scan3A_117 = %scan3A_112 to %scan3A_114 step %scan3A_115  : i32 {
      %mul3A_118 = arith.constant 16 : i32
      %mul3A_119 = arith.muli %scan3A_117, %mul3A_118 : i32
      %add3A_120 = arith.constant 384 : i32
      %add3A_121 = arith.addi %add3A_120, %mul3A_119 : i32
      %get3A = arith.index_cast %add3A_121 : i32 to index
      %get3A_122 = tpu.vector_load %arg5[%get3A] {strides = array<i32>} : memref<512xi32, #tpu.memory_space<vmem>>, vector<16xi32>,
      %mul3A_123 = arith.constant 16 : i32
      %mul3A_124 = arith.muli %scan3A_117, %mul3A_123 : i32
      %add3A_125 = vector.broadcast %mul3A_124 : i32 to vector<16xi32>
      %add3A_126 = arith.addi %add3A_125, %iota3A : vector<16xi32>
      %and3A = arith.constant 127 : i32
      %and3A_127 = vector.broadcast %and3A : i32 to vector<16xi32>
      %and3A_128 = arith.andi %get3A_122, %and3A_127 : vector<16xi32>
      %gather3A = tpu.vector_load_idx %arg7[%broadcast_in_dim3A_110, %add3A_126, %and3A_128] : memref<4x128x128xf32, #tpu.memory_space<vmem>>[vector<16xi32>, vector<16xi32>, vector<16xi32>], vector<16xf32>,
      %mul3A_129 = arith.constant 16 : i32
      %mul3A_130 = arith.muli %scan3A_117, %mul3A_129 : i32
      %add3A_131 = arith.constant 384 : i32
      %add3A_132 = arith.addi %add3A_131, %mul3A_130 : i32
      %swap3A = arith.index_cast %add3A_132 : i32 to index
      %swap3A_133 = tpu.vector_load %arg8[%swap3A] {strides = array<i32>} : memref<512xf32, #tpu.memory_space<vmem>>, vector<16xf32>,
      tpu.vector_store %arg8[%swap3A], %gather3A {strides = array<i32>} : memref<512xf32, #tpu.memory_space<vmem>>, vector<16xf32>,
    }
    %scan3A_116 = arith.constant 8 : i32
    "tpu.region"() ({
      %run_scoped3A = tpu.sem_alloc : memref<!tpu.dma_semaphore, #tpu.memory_space<semaphore_mem>>
      %dma_start3A_117 = tpu.memref_slice %arg4[%mul3A_2] : memref<16384xf32, #tpu.memory_space<hbm>> -> memref<512xf32, #tpu.memory_space<hbm>>
      %dma_start3A_118 = tpu.memref_slice %arg4[%mul3A_2] : memref<16384xf32, #tpu.memory_space<hbm>> -> memref<512xf32, #tpu.memory_space<hbm>>
      tpu.enqueue_dma source(%arg8 : memref<512xf32, #tpu.memory_space<vmem>>) target(%dma_start3A_118 : memref<512xf32, #tpu.memory_space<hbm>>) target_semaphore(%run_scoped3A : memref<!tpu.dma_semaphore, #tpu.memory_space<semaphore_mem>>)
      %dma_wait3A_119 = tpu.memref_slice %arg4[%mul3A_2] : memref<16384xf32, #tpu.memory_space<hbm>> -> memref<512xf32, #tpu.memory_space<hbm>>
      %dma_wait3A_120 = tpu.memref_slice %arg4[%mul3A_2] : memref<16384xf32, #tpu.memory_space<hbm>> -> memref<512xf32, #tpu.memory_space<hbm>>
      tpu.wait_dma2 semaphore(%run_scoped3A : memref<!tpu.dma_semaphore, #tpu.memory_space<semaphore_mem>>) src(%arg8 : memref<512xf32, #tpu.memory_space<vmem>>) dst(%dma_wait3A_120 : memref<512xf32, #tpu.memory_space<hbm>>)
      tpu.yield
    }) : () -> ()
    return
  }
}

module attributes {stable_mosaic.version = 14 : i64} {
  func.func @_score_body(%arg0: i32, %arg1: memref<1x32xf32, #tpu.memory_space<vmem>>, %arg2: memref<1x1xf32, #tpu.memory_space<vmem>>, %arg3: memref<32x57344xf32, #tpu.memory_space<vmem>>, %arg4: memref<448x128xf32, #tpu.memory_space<vmem>>) attributes {dimension_semantics = [#tpu.dimension_semantics<arbitrary>], iteration_bounds = array<i64: 18>, scalar_prefetch = 0 : i64, scratch_operands = 0 : i64, tpu.core_type = #tpu.core_type<tc>, window_params = [{pipeline_mode = #tpu.pipeline_mode<synchronous>, transform_indices = @transform_0, window_bounds = array<i64: 1, 32>}, {pipeline_mode = #tpu.pipeline_mode<synchronous>, transform_indices = @transform_1, window_bounds = array<i64: 1, 1>}, {transform_indices = @transform_2, window_bounds = array<i64: 32, 57344>}, {transform_indices = @transform_3, window_bounds = array<i64: 448, 128>}]} {
    %get3A = arith.constant 0 : index
    %get3A_0 = arith.constant 0 : index
    %get3A_1 = vector.load %arg3[%get3A, %get3A_0] : memref<32x57344xf32, #tpu.memory_space<vmem>>, vector<32x57344xf32>
    %get3A_2 = arith.constant 0 : index
    %get3A_3 = arith.constant 0 : index
    %get3A_4 = vector.load %arg1[%get3A_2, %get3A_3] : memref<1x32xf32, #tpu.memory_space<vmem>>, vector<1x32xf32>
    %dot_general3A = arith.constant dense<0.000000e+00> : vector<1x57344xf32>
    %dot_general3A_5 = tpu.matmul %get3A_4, %get3A_1, %dot_general3A {dimension_numbers = #tpu.dot_dimension_numbers<[1], [0], [0], [1], [0, 0, 1, 1], [], []>, transpose_lhs_hint = false} : vector<1x32xf32>, vector<32x57344xf32>, vector<1x57344xf32> -> vector<1x57344xf32>
    %reshape3A = vector.shape_cast %dot_general3A_5 : vector<1x57344xf32> to vector<448x128xf32>
    %get3A_6 = arith.constant 0 : index
    %get3A_7 = arith.constant 0 : index
    %get3A_8 = vector.load %arg2[%get3A_6, %get3A_7] : memref<1x1xf32, #tpu.memory_space<vmem>>, vector<1x1xf32>
    %get3A_9 = vector.extract %get3A_8[0, 0] : f32 from vector<1x1xf32>
    %add3A = vector.broadcast %get3A_9 : f32 to vector<448x128xf32>
    %add3A_10 = arith.addf %reshape3A, %add3A : vector<448x128xf32>
    %swap3A = arith.constant 0 : index
    %swap3A_11 = arith.constant 0 : index
    %swap3A_12 = vector.load %arg4[%swap3A, %swap3A_11] : memref<448x128xf32, #tpu.memory_space<vmem>>, vector<448x128xf32>
    tpu.vector_store %arg4[%swap3A, %swap3A_11], %add3A_10 {strides = array<i32>} : memref<448x128xf32, #tpu.memory_space<vmem>>, vector<448x128xf32>,
    return
  }
  func.func @transform_0(%arg0: i32) -> (i32, i32) {
    %c0_i32 = arith.constant 0 : i32
    %c0_i32_0 = arith.constant 0 : i32
    %c0_i32_1 = arith.constant 0 : i32
    return %c0_i32, %c0_i32_0 : i32, i32
  }
  func.func @transform_1(%arg0: i32) -> (i32, i32) {
    %c0_i32 = arith.constant 0 : i32
    %c0_i32_0 = arith.constant 0 : i32
    %c0_i32_1 = arith.constant 0 : i32
    return %c0_i32, %c0_i32_0 : i32, i32
  }
  func.func @transform_2(%arg0: i32) -> (i32, i32) {
    %c0_i32 = arith.constant 0 : i32
    %c0_i32_0 = arith.constant 0 : i32
    return %c0_i32, %arg0 : i32, i32
  }
  func.func @transform_3(%arg0: i32) -> (i32, i32) {
    %c0_i32 = arith.constant 0 : i32
    %c0_i32_0 = arith.constant 0 : i32
    return %arg0, %c0_i32 : i32, i32
  }
}

</mosaic_0001>

<sc_bundles>
// kernel: kernel.4.cloned.1.call-start
scs
__scs_entry_jumppad:
0x0: {  	(pc) =	sbr.rel $0x88, $3  }
0x1: {  	(tag) =	ssettag $0x0;
	lr =	simm.s32 $0x1  }
0x2: {  	[smem:$0x3F9D] =	sst lr;
	_ =	strace $0xD0000000  }
0x3: {  	_ = 	snop  }
0x4: {  	_ = 	snop  }
0x5: {  	_ = 	snop  }
0x6: {  	_ = 	snop  }
0x7: {  	_ = 	snop  }
__scs_overlays_trampoline_lowered:
0x8: {  	[smem:$0x3FAC] =	sst s0  }
0x9: {  	[smem:$0x3FAD] =	sst s1  }
0xa: {  	[smem:$0x3FAE] =	sst s2  }
0xb: {  	[smem:$0x3FAF] =	sst s3  }
0xc: {  	[smem:$0x3FB0] =	sst s4  }
0xd: {  	[smem:$0x3FB1] =	sst s5  }
0xe: {  	[smem:$0x3FB2] =	sst s6  }
0xf: {  	[smem:$0x3FB3] =	sst s7  }
0x10: {  	[smem:$0x3FB4] =	sst s8  }
0x11: {  	[smem:$0x3FB5] =	sst s9;
	s0 =	simm.s32 @!p0 $0x0  }
0x12: {  	s1 =	sld [smem:$0x3F9B];
	s0 =	simm.s32 @p0 $0x1  }
0x13: {  	[smem:$0x3FB6] =	sst s0;
	s0 =	simm.s32 @!p1 $0x0  }
0x14: {  	s2 =	sld [smem:$0x3F9A];
	s0 =	simm.s32 @p1 $0x1  }
0x15: {  	[smem:$0x3FB7] =	sst s0;
	s0 =	simm.s32 @!p2 $0x0  }
0x16: {  	s3 =	sld [smem:$0x3FDB];
	s0 =	simm.s32 @p2 $0x1  }
0x17: {  	s4 =	simm.s32 $0x1BF5;
	[smem:$0x3FB9] =	sst s0  }
0x18: {  	s0 =	sld [smem:$0x3F9C];
	_ =	swait.ge [sflag:s4], $0x0  }
0x19: {  	s7 =	sld [smem:$0x3F9D]  }
0x1a: {  	s8 =	sadd.s32 $0xFFFFE003, lr  }
0x1b: {  	s9 =	sadd.s32 $0xFFFFFEF7, lr;
	s5 =	simm.s32 $0xFFFFFFFF;
	p2 =	slt.u32 s8, $0xFFFFF086  }
0x1c: {  	p1 =	slt.u32 s9, $0xF7A;
	s5 =	simm.s32 @!p2 $0x0  }
0x1d: {  	s5 =	simm.s32 @p1 $0x1;
	p0 =	seq.s32 s7, s2  }
0x1e: {  	s7 =	smul.u32 @!p0 $0xF7A, s2;
	p2 =	seq.s32 @!p0 s5, $0x0  }
0x1f: {  	s9 =	smul.u32 $0xF7A, s1;
	s8 =	simm.s32 @!p0 $0x1BF5;
	p2 =	por !p2, p0  }
0x20: {  	[sflag:s8] =	ssyncset.s32 @!p0 $0xFFFFF086;
	s6 =	sadd.s32 @!p0 s3, s7;
	s7 =	simm.s32 @!p0 $0x108  }
0x21: {  	s3 =	sadd.s32 s3, s9;
	s6 =	sadd.s32 @!p0 $0x88, s6;
	s7 =	simm.s32 @p2 $0x1082  }
0x22: {  	[simem:s7], [sflag:s8] =	dma.local @!p0 [hbm:s6], $0xF7A  }
0x23: {  	s9 =	sor.u32 $0xD0000000, s2;
	s6 =	simm.s32 $0x108;
	_ =	swait.ge @!p0 [sflag:s8], $0x0  }
0x24: {  	s3 =	sadd.s32 $0x88, s3;
	s6 =	simm.s32 @!p1 $0x1082;
	[sflag:s4] =	ssyncset.s32 $0xFFFFF086  }
0x25: {  	[simem:s6], [sflag:s4] =	dma.local [hbm:s3], $0xF7A  }
0x26: {  	[smem:$0x3F9D] =	sst s1;
	(tag) =	ssettag s2;
	_ =	strace s9  }
0x27: {  	s1 =	sld [smem:$0x3FAD]  }
0x28: {  	s2 =	sld [smem:$0x3FAE]  }
0x29: {  	s4 =	sld [smem:$0x3FB0]  }
0x2a: {  	p0 =	seq.s32 s5, $0x0;
	s5 =	sld [smem:$0x3FB1]  }
0x2b: {  	s6 =	sld [smem:$0x3FB2]  }
0x2c: {  	s7 =	sld [smem:$0x3FB3]  }
0x2d: {  	s3 =	simm.s32 $0x108;
	s8 =	sld [smem:$0x3FB4]  }
0x2e: {  	s3 =	simm.s32 @!p0 $0x1082;
	s9 =	sld [smem:$0x3FB5]  }
0x2f: {  	lr =	sadd.s32 s0, s3;
	s0 =	sld [smem:$0x3FAC]  }
0x30: {  	s3 =	sld [smem:$0x3FAF]  }
0x31: {  	[smem:$0x3FB8] =	sst s10  }
0x32: {  	s10 =	sld [smem:$0x3FB6];
	_ =	sdelay $0x3  }
0x33: {  	p0 =	seq.s32 s10, $0x1;
	s10 =	sld [smem:$0x3FB8];
	_ =	sdelay $0x3  }
0x34: {  	[smem:$0x3FB8] =	sst s10  }
0x35: {  	s10 =	sld [smem:$0x3FB7];
	_ =	sdelay $0x3  }
0x36: {  	p1 =	seq.s32 s10, $0x1;
	s10 =	sld [smem:$0x3FB8];
	_ =	sdelay $0x3  }
0x37: {  	[smem:$0x3FB8] =	sst s10  }
0x38: {  	s10 =	sld [smem:$0x3FB9]  }
0x39: {  	_ = 	snop;
	(pc) =	sbr.ind lr, $3  }
0x3a: {  	_ = 	snop  }
0x3b: {  	_ = 	snop  }
0x3c: {  	p2 =	seq.s32 s10, $0x1;
	s10 =	sld [smem:$0x3FB8]  }
0x3d: {  	_ =	shalt  }
0x3e: {  	_ =	shalt  }
0x3f: {  	_ =	shalt  }
0x40: {  	_ =	shalt  }
0x41: {  	_ =	shalt  }
0x42: {  	_ =	shalt  }
0x43: {  	_ =	shalt  }
0x44: {  	_ =	shalt  }
0x45: {  	_ =	shalt  }
0x46: {  	_ =	shalt  }
0x47: {  	_ =	shalt  }
0x48: {  	_ =	shalt  }
0x49: {  	_ =	shalt  }
0x4a: {  	_ =	shalt  }
0x4b: {  	_ =	shalt  }
0x4c: {  	_ =	shalt  }
0x4d: {  	_ =	shalt  }
0x4e: {  	_ =	shalt  }
0x4f: {  	_ =	shalt  }
0x50: {  	_ =	shalt  }
0x51: {  	_ =	shalt  }
0x52: {  	_ =	shalt  }
0x53: {  	_ =	shalt  }
0x54: {  	_ =	shalt  }
0x55: {  	_ =	shalt  }
0x56: {  	_ =	shalt  }
0x57: {  	_ =	shalt  }
0x58: {  	_ =	shalt  }
0x59: {  	_ =	shalt  }
0x5a: {  	_ =	shalt  }
0x5b: {  	_ =	shalt  }
0x5c: {  	_ =	shalt  }
0x5d: {  	_ =	shalt  }
0x5e: {  	_ =	shalt  }
0x5f: {  	_ =	shalt  }
0x60: {  	_ =	shalt  }
0x61: {  	_ =	shalt  }
0x62: {  	_ =	shalt  }
0x63: {  	_ =	shalt  }
0x64: {  	_ =	shalt  }
0x65: {  	_ =	shalt  }
0x66: {  	_ =	shalt  }
0x67: {  	_ =	shalt  }
0x68: {  	_ =	shalt  }
0x69: {  	_ =	shalt  }
0x6a: {  	_ =	shalt  }
0x6b: {  	_ =	shalt  }
0x6c: {  	_ =	shalt  }
0x6d: {  	_ =	shalt  }
0x6e: {  	_ =	shalt  }
0x6f: {  	_ =	shalt  }
0x70: {  	_ =	shalt  }
0x71: {  	_ =	shalt  }
0x72: {  	_ =	shalt  }
0x73: {  	_ =	shalt  }
0x74: {  	_ =	shalt  }
0x75: {  	_ =	shalt  }
0x76: {  	_ =	shalt  }
0x77: {  	_ =	shalt  }
0x78: {  	_ =	shalt  }
0x79: {  	_ =	shalt  }
0x7a: {  	_ =	shalt  }
0x7b: {  	_ =	shalt  }
0x7c: {  	_ =	shalt  }
0x7d: {  	_ =	shalt  }
0x7e: {  	_ =	shalt  }
0x7f: {  	_ =	shalt  }
0x80: {  	_ =	shalt  }
0x81: {  	_ =	shalt  }
0x82: {  	_ =	shalt  }
0x83: {  	_ =	shalt  }
0x84: {  	_ =	shalt  }
0x85: {  	_ =	shalt  }
0x86: {  	_ =	shalt  }
0x87: {  	_ =	shalt  }
.Lfunc_end0:
.L_simem_size_0:
called_computation_lowered:
.L_overlay_start_0:
0x88: {  	s2 =	sld [smem:$0x3FD9]  }
0x89: {  	s3 =	sld [smem:$0x3FFE];
	_ =	sdelay $0x1  }
0x8a: {  	s1 =	srdreg.scid  }
0x8b: {  	s0 =	sand.u32 $0x1, s1  }
0x8c: {  	s17 =	sshll.u32 s0, $0xA;
	s2 =	sadd.s32 s3, s2  }
0x8d: {  	s2 =	sadd.s32 s2, s17  }
0x8e: {  	[smem:$0x3FC4] =	sst s2  }
0x8f: {  	_ = 	snop  }
0x90: {  	s2 =	sld [smem:$0x3FC9]  }
0x91: {  	s18 =	sld [smem:$0x3FD0];
	(tm) =	ssettm $0x1  }
0x92: {  	s4 =	sld [smem:$0x3FFB];
	_ =	sdelay $0x3  }
0x93: {  	_ =	strace s4  }
0x94: {  	s4 =	sld [smem:$0x3FFC];
	_ =	sdelay $0x3  }
0x95: {  	_ =	strace s4  }
0x96: {  	s4 =	sld [smem:$0x3FFD];
	_ =	sdelay $0x3  }
0x97: {  	_ =	strace s4  }
0x98: {  	_ =	strace $0x8FFFFFFF  }
0x99: {  	s19 =	sld [smem:$0x3FDB];
	_ =	sdelay $0x1  }
0x9a: {  	s5 =	simm.s32 $_scs_section_size  }
0x9b: {  	s6 =	simm.s32 $_size__tile_overlayer_lowered;
	s7 =	simm.s32 $_tile_overlayer_lowered  }
0x9c: {  	s22 =	simm.s32 $0x1BFF;
	s21 =	sshll.u32 s7, $0x1;
	s4 =	sadd.s32 s5, s19  }
0x9d: {  	s8 =	simm.s32 $0x0;
	s20 =	sshll.u32 s6, $0x1;
	s6 =	sadd.s32 s21, s4  }
0x9e: {  	[timem:s8], [sflag:s22] =	dma.local [hbm:s6], s20  }
0x9f: {  	_ =	swait.ge [sflag:s22], s20  }
0xa0: {  	s5 =	ssub.s32 $0x0, s20;
	[sflag:s22] =	ssyncset.done $0x0  }
0xa1: {  	[sflag:s22] =	ssyncadd.s32 s5;
	_ =	sdelay $0x1  }
0xa2: {  	s23 =	simm.s32 $0x1B8B  }
0xa3: {  	_ =	swait.ge [sflag:s23], $0x1  }
0xa4: {  	[sflag:s23] =	ssyncset.done $0x0  }
0xa5: {  	s25 =	simm.s32 $0x1B8E;
	s24 =	sld [smem:$0x3FFE];
	[sflag:s23] =	ssyncadd.s32 $0xFFFFFFFF  }
0xa6: {  	s26 =	simm.s32 $execute0_lowered;
	[smem:$0x3FD2] =	sst s25  }
0xa7: {  	s6 =	sshll.u32 s26, $0x1;
	_ =	strace $0x80000046;
	[dreg:$0x1] =	wrdreg $0xFFFFFFFF  }
0xa8: {  	s28 =	simm.s32 $_size_execute0_lowered;
	s4 =	sadd.s32 s4, s6;
	[dreg:$0x0] =	wrdreg $0x0  }
0xa9: {  	s6 =	sshll.u32 s28, $0x1;
	[dreg:$0x2] =	wrdreg s4  }
0xaa: {  	[dreg:$0x3] =	wrdreg s6  }
0xab: {  	[dreg:$0x4] =	wrdreg $0xC0  }
0xac: {  	_ =	task [dreg:s8], $0x5FFFF  }
0xad: {  	[dreg:$0x1] =	wrdreg $0xFFFFFFFF  }
0xae: {  	[dreg:$0x0] =	wrdreg $0x60  }
0xaf: {  	[dreg:$0x2] =	wrdreg s2  }
0xb0: {  	[dreg:$0x3] =	wrdreg s24  }
0xb1: {  	[dreg:$0x4] =	wrdreg s18  }
0xb2: {  	[dreg:$0x5] =	wrdreg $0x9  }
0xb3: {  	_ =	task.clear_ibuf [dreg:s8], $0x6FFFF;
	_ =	strace $0x90000046  }
0xb4: {  	s29 =	simm.s32 $0x9;
	_ =	strace $0x80000048  }
0xb5: {  	_ =	swait.ge [sflag:s29], $0x1  }
0xb6: {  	[sflag:s29] =	ssyncadd.s32 $0xFFFFFFFF  }
0xb7: {  	_ =	strace $0x90000048  }
0xb8: {  	_ =	sfence  }
0xb9: {  	s30 =	sld [smem:$0x0];
	_ =	sdelay $0x2  }
0xba: {  	s31 =	sshll.u32 s1, $0xD;
	s1 =	sshrl.u32 s1, $0x2  }
0xbb: {  	s3 =	sand.u32 $0x4000, s31;
	s1 =	sadd.s32 s1, s30  }
0xbc: {  	s0 =	sor.u32 s3, s0;
	s1 =	sshll.u32 s1, $0x11  }
0xbd: {  	s0 =	sor.u32 s1, s0  }
0xbe: {  	s0 =	sadd.s32 $0x8F2B, s0  }
0xbf: {  	[sflag:s0] =	ssyncadd.remote.s32 $0x1  }
0xc0: {  	_ =	sfence.sel $0xFFFF  }
0xc1: {  	[dreg:$0x0] =	wrdreg $0xFFFFFFFF;
	(pc) =	sbr.abs _section_cstart, $3  }
0xc2: {  	[dreg:$0x1] =	wrdreg $0xFFFFFFFF  }
0xc3: {  	_ =	task.clear_ibuf [dreg:s8], $0x2FFFF;
	_ =	strace $0x9FFFFFFF  }
0xc4: {  	(tm) =	ssettm $0x7FFFFFFF  }
0xc5: {  	_ =	shalt  }
tec
execute0_lowered:
.L_overlay_start_1:
0x0: {  	(tag) =	ssettag $0x1  }
0x1: {  	s4 =	rddreg [dreg:$0x0]  }
0x2: {  	s3 =	rddreg [dreg:$0x1]  }
0x3: {  	s5 =	rddreg [dreg:$0x2]  }
0x4: {  	s0 =	rddreg [dreg:$0x3];
	s2 =	simm.s32 $0x0;
	s6 =	srdreg.scid  }
0x5: {  	s1 =	stileid.u32;
	s10 =	simm.s32 $0x400;
	s11 =	simm.s32 $0x280  }
0x6: {  	s12 =	simm.s32 $0x4400;
	s13 =	simm.s32 $0x300;
	s14 =	simm.s32 $0x8400  }
0x7: {  	s15 =	simm.s32 $0x380;
	s16 =	simm.s32 $0xC400;
	s17 =	simm.s32 $0x1  }
0x8: {  	s18 =	simm.s32 $0x10400;
	s19 =	simm.s32 $0x0;
	[smem:$0x7FF] =	sst s2  }
0x9: {  	s6 =	sand.u32 $0x1, s6;
	s8 =	sshll.u32 s1, $0x7;
	s3 =	sadd.s32 $0x800, s3  }
0xa: {  	s7 =	ssub.s32 $0x2, s6;
	s6 =	sshll.u32 s6, $0x6;
	_ =	strace $0x80000047  }
0xb: {  	s9 =	sshrl.u32 s7, $0x1;
	s6 =	sor.u32 s6, s8;
	s8 =	simm.s32 $0x80  }
0xc: {  	v0 =	vlaneseq.u32;
	s7 =	ssub.s32 s7, s9;
	s4 =	sadd.s32 s4, s6;
	s5 =	sadd.s32 s5, s6  }
0xd: {  	v0 =	vmul.u32 $0x80, v0;
	s9 =	simm.s32 $0x200;
	s6 =	smax.u32 s7, $0x1;
	s7 =	simm.s32 $0x2  }
.LBB2_1:
0xe: {  	[tilespmem:s2], [sflag:$0x2] =	stream.linear.gather [hbm4b:s4+s2], $0x200, $0x38;
	[tilespmem:$0x10600] =	vst v63  }
0xf: {  	_ =	swait.ge [sflag:s7], $0x200  }
0x10: {  	[sflag:s7] =	ssyncset.done $0x0  }
0x11: {  	s20 =	simm.s32 $0x0;
	[sflag:s7] =	ssyncadd.s32 $0xFFFFFE00  }
0x12: {  	s21 =	simm.s32 $0x40;
	v1 =	vld [tilespmem:s20+$0x0]  }
.LBB2_2:
0x13: {  	p0 =	sne.s32 s21, $0x7C0  }
.Ltmp0:
0x14: {  	_ = 	snop;
	(pc) =	sbr.rel @p0 .LBB2_2-.Ltmp0, $3  }
0x15: {  	_ =	sdelay $0x1  }
0x16: {  	s22 =	sshra.s32 s21, $0x2;
	s21 =	sadd.s32 $0x40, s21;
	v2 =	vshra.s32 v1, $0x7  }
0x17: {  	v1 =	vld [tilespmem:s22+$0x0];
	[tilespmem:s20+$0x200] =	vst v2;
	s20 =	smov.u32 s22  }
0x18: {  	_ =	sdelay $0x3  }
0x19: {  	v1 =	vshra.s32 v1, $0x7  }
0x1a: {  	[tilespmem:s20+$0x200] =	vst v1  }
0x1b: {  	[tilespmem:s10], [sflag:$0x1] =	stream.indirect.gather [hbm4b:s3+s8], $0x80, s9, s8, $0xb8;
	[tilespmem:$0x10600] =	vst v63  }
0x1c: {  	_ = 	snop  }
0x1d: {  	[tilespmem:s12], [sflag:$0x1] =	stream.indirect.gather [hbm4b:s3+s8], $0x80, s11, s8, $0xb8;
	[tilespmem:$0x10600] =	vst v63  }
0x1e: {  	_ = 	snop  }
0x1f: {  	[tilespmem:s14], [sflag:$0x1] =	stream.indirect.gather [hbm4b:s3+s8], $0x80, s13, s8, $0xb8;
	[tilespmem:$0x10600] =	vst v63  }
0x20: {  	_ = 	snop  }
0x21: {  	[tilespmem:s16], [sflag:$0x1] =	stream.indirect.gather [hbm4b:s3+s8], $0x80, s15, s8, $0xb8;
	[tilespmem:$0x10600] =	vst v63  }
0x22: {  	_ =	swait.ge [sflag:s17], $0x4000  }
0x23: {  	[sflag:s17] =	ssyncset.done $0x0  }
0x24: {  	[sflag:s17] =	ssyncadd.s32 $0xFFFFC000  }
0x25: {  	_ =	swait.ge [sflag:s17], $0x4000  }
0x26: {  	[sflag:s17] =	ssyncset.done $0x0  }
0x27: {  	[sflag:s17] =	ssyncadd.s32 $0xFFFFC000  }
0x28: {  	_ =	swait.ge [sflag:s17], $0x4000  }
0x29: {  	[sflag:s17] =	ssyncset.done $0x0  }
0x2a: {  	[sflag:s17] =	ssyncadd.s32 $0xFFFFC000  }
0x2b: {  	_ =	swait.ge [sflag:s17], $0x4000  }
0x2c: {  	s21 =	simm.s32 $0x10400;
	s22 =	simm.s32 $0x0;
	[sflag:s17] =	ssyncset.done $0x0  }
0x2d: {  	s23 =	simm.s32 $0x0;
	s20 =	simm.s32 $0x0;
	[sflag:s17] =	ssyncadd.s32 $0xFFFFC000  }
.LBB2_4:
0x2e: {  	v1 =	vld [tilespmem:s22+$0x0];
	_ =	sdelay $0x2  }
0x2f: {  	v2 =	vmov s23  }
0x30: {  	v2 =	vshll.u32 v2, $0x7  }
0x31: {  	v2 =	vor.u32 v0, v2;
	v1 =	vand.u32 $0x7F, v1  }
0x32: {  	v1 =	vor.u32 v2, v1;
	_ =	sdelay $0x4  }
0x33: {  	p0 =	sne.s32 s23, $0x70;
	v1 =	vld.idx.msk [tilespmem:v1+s10+$0x0], $0xffff  }
.Ltmp1:
0x34: {  	_ = 	snop;
	(pc) =	sbr.rel @p0 .LBB2_4-.Ltmp1, $2  }
0x35: {  	_ =	sdelay $0x2  }
0x36: {  	s22 =	sadd.s32 $0x10, s22;
	s23 =	sadd.s32 $0x10, s23;
	[tilespmem:s21+$0x0] =	vst v1;
	s21 =	sadd.s32 $0x10, s21  }
0x37: {  	s21 =	simm.s32 $0x80;
	s22 =	simm.s32 $0x10480  }
.LBB2_6:
0x38: {  	v1 =	vld [tilespmem:s21+$0x0];
	_ =	sdelay $0x2  }
0x39: {  	v2 =	vmov s20  }
0x3a: {  	v2 =	vshll.u32 v2, $0x7  }
0x3b: {  	v2 =	vor.u32 v0, v2;
	v1 =	vand.u32 $0x7F, v1  }
0x3c: {  	v1 =	vor.u32 v1, v2  }
0x3d: {  	v1 =	vadd.s32 $0x4000, v1;
	_ =	sdelay $0x4  }
0x3e: {  	p0 =	sne.s32 s20, $0x70;
	v1 =	vld.idx.msk [tilespmem:v1+s10+$0x0], $0xffff  }
.Ltmp2:
0x3f: {  	_ = 	snop;
	(pc) =	sbr.rel @p0 .LBB2_6-.Ltmp2, $2  }
0x40: {  	_ =	sdelay $0x2  }
0x41: {  	s21 =	sadd.s32 $0x10, s21;
	s20 =	sadd.s32 $0x10, s20;
	[tilespmem:s22+$0x0] =	vst v1;
	s22 =	sadd.s32 $0x10, s22  }
0x42: {  	s20 =	simm.s32 $0x0  }
0x43: {  	s21 =	simm.s32 $0x100;
	s22 =	simm.s32 $0x10500;
	s23 =	simm.s32 $0x0  }
.LBB2_8:
0x44: {  	v1 =	vld [tilespmem:s21+$0x0];
	_ =	sdelay $0x2  }
0x45: {  	v2 =	vmov s23  }
0x46: {  	v2 =	vshll.u32 v2, $0x7  }
0x47: {  	v2 =	vor.u32 v0, v2;
	v1 =	vand.u32 $0x7F, v1  }
0x48: {  	v1 =	vor.u32 v1, v2  }
0x49: {  	v1 =	vadd.s32 $0x8000, v1;
	_ =	sdelay $0x4  }
0x4a: {  	p0 =	sne.s32 s23, $0x70;
	v1 =	vld.idx.msk [tilespmem:v1+s10+$0x0], $0xffff  }
.Ltmp3:
0x4b: {  	_ = 	snop;
	(pc) =	sbr.rel @p0 .LBB2_8-.Ltmp3, $2  }
0x4c: {  	_ =	sdelay $0x2  }
0x4d: {  	s21 =	sadd.s32 $0x10, s21;
	s23 =	sadd.s32 $0x10, s23;
	[tilespmem:s22+$0x0] =	vst v1;
	s22 =	sadd.s32 $0x10, s22  }
0x4e: {  	s21 =	simm.s32 $0x180  }
0x4f: {  	v1 =	vld [tilespmem:s21+$0x0];
	_ =	sdelay $0x2  }
0x50: {  	v2 =	vmov s20  }
0x51: {  	v2 =	vshll.u32 v2, $0x7  }
0x52: {  	v2 =	vor.u32 v0, v2;
	v1 =	vand.u32 $0x7F, v1  }
0x53: {  	v1 =	vor.u32 v1, v2  }
0x54: {  	v1 =	vadd.s32 $0xC000, v1;
	_ =	sdelay $0x4  }
0x55: {  	v1 =	vld.idx.msk [tilespmem:v1+s10+$0x0], $0xffff;
	_ =	sdelay $0x3  }
0x56: {  	s20 =	simm.s32 $0x10580  }
0x57: {  	s21 =	simm.s32 $0x190;
	[tilespmem:s20+$0x0] =	vst v1  }
0x58: {  	s22 =	simm.s32 $0x10;
	s23 =	simm.s32 $0x20;
	v1 =	vld [tilespmem:s21+$0x0]  }
.LBB2_10:
0x59: {  	p0 =	sne.s32 s23, $0x70;
	_ =	sdelay $0x1  }
0x5a: {  	v2 =	vmov s22;
	s22 =	smov.u32 s23  }
0x5b: {  	v2 =	vshll.u32 v2, $0x7  }
0x5c: {  	v2 =	vor.u32 v0, v2;
	v1 =	vand.u32 $0x7F, v1  }
0x5d: {  	v1 =	vor.u32 v1, v2  }
0x5e: {  	v1 =	vadd.s32 $0xC000, v1;
	_ =	sdelay $0x4  }
0x5f: {  	v1 =	vld.idx.msk [tilespmem:v1+s10+$0x0], $0xffff;
	_ =	sdelay $0x2  }
.Ltmp4:
0x60: {  	(pc) =	sbr.rel @p0 .LBB2_10-.Ltmp4, $4  }
0x61: {  	_ = 	snop  }
0x62: {  	s20 =	sadd.s32 $0x10, s20  }
0x63: {  	s21 =	sadd.s32 $0x10, s21;
	[tilespmem:s20+$0x0] =	vst v1  }
0x64: {  	s23 =	sadd.s32 $0x10, s23;
	v1 =	vld [tilespmem:s21+$0x0]  }
0x65: {  	_ =	sdelay $0x1  }
0x66: {  	v2 =	vmov s22  }
0x67: {  	v2 =	vshll.u32 v2, $0x7  }
0x68: {  	v2 =	vor.u32 v0, v2;
	v1 =	vand.u32 $0x7F, v1  }
0x69: {  	v1 =	vor.u32 v1, v2  }
0x6a: {  	v1 =	vadd.s32 $0xC000, v1;
	_ =	sdelay $0x4  }
0x6b: {  	v1 =	vld.idx.msk [tilespmem:v1+s10+$0x0], $0xffff;
	_ =	sdelay $0x2  }
0x6c: {  	s19 =	sadd.s32 $0x1, s19  }
0x6d: {  	s20 =	sadd.s32 $0x10, s20;
	p0 =	sne.s32 s19, s6  }
.Ltmp5:
0x6e: {  	[tilespmem:s20+$0x0] =	vst v1;
	(pc) =	sbr.rel @p0 .LBB2_1-.Ltmp5, $4  }
0x6f: {  	[hbm4b:s5+s2] =	stream.linear.scatter [tilespmem:s18], [sflag:$0x2], $0x200, $0x38;
	[tilespmem:$0x10600] =	vst v63  }
0x70: {  	_ =	swait.ge [sflag:s7], $0x200  }
0x71: {  	[sflag:s7] =	ssyncset.done $0x0  }
0x72: {  	[sflag:s7] =	ssyncadd.s32 $0xFFFFFE00  }
0x73: {  	_ =	sfence.sel $0x180000  }
0x74: {  	[bflag:$0x0] =	sbarrier.arrive $0xFFFF  }
0x75: {  	p0 =	sne.s32 s1, $0x0;
	_ =	strace $0x90000047  }
0x76: {  	s0 =	sadd.s32 @!p0 $0x100000, s0;
	[bflag:$0x2] =	sbarrier.arrive $0xFFFF  }
0x77: {  	[sflag:s0] =	ssyncadd.tile.s32 @!p0 $0x1;
	_ =	shalt  }
.Lfunc_end2:
_tile_overlayer_lowered:
.L_overlay_start_2:
0x78: {  	(tag) =	ssettag $0x2  }
0x79: {  	s0 =	rddreg [dreg:$0x0];
	s2 =	stileid.u32  }
0x7a: {  	s1 =	rddreg [dreg:$0x1];
	p0 =	sne.s32 s2, $0x0  }
0x7b: {  	s3 =	rddreg [dreg:$0x2];
	[bflag:$0x3] =	sbarrier.arrive $0xFFFF;
	s2 =	simm.s32 @!p0 $0x1C02  }
0x7c: {  	[timem:s3], [sflag:s2] =	dma.local @!p0 [hbm:s0], s1  }
0x7d: {  	s0 =	simm.s32 @!p0 $0x2  }
0x7e: {  	_ =	swait.ge @!p0 [sflag:s0], s1  }
0x7f: {  	s1 =	ssub.s32 @!p0 $0x0, s1;
	[sflag:s0] =	ssyncset.done @!p0 $0x0  }
0x80: {  	[sflag:s0] =	ssyncadd.s32 @!p0 s1  }
0x81: {  	[bflag:$0x3] =	sbarrier.arrive $0xFFFF  }
0x82: {  	_ =	shalt  }

</sc_bundles>
